<compile_context>
chip_gen: v7x
topology: tpu7x:2x2x1
jax: 0.10.2.dev20260603
libtpu: 0.0.44.dev20260713+nightly
codegen_flags: <defaults>
</compile_context>

<pallas_src>
import functools

import jax
import jax.numpy as jnp
from jax import lax
from jax.experimental import pallas as pl
from jax.experimental.pallas import tpu as pltpu
from jax.experimental.pallas import tpu_sc as plsc

B, T, H = 4096, 200, 128

_info = plsc.get_sparse_core_info()
_NC, _NS, _L = _info.num_cores, _info.num_subcores, _info.num_lanes
_NW = _NC * _NS
_BPW = B // _NW


def _last_pool_kernel(flat_hbm, len_hbm, out_hbm, len_v, idx_v, rows_v, sem,
                      sem2, sem3, osem):
    wid = lax.axis_index("s") * _NC + lax.axis_index("c")
    base = wid * _BPW

    pltpu.sync_copy(len_hbm.at[pl.ds(base, _BPW)], len_v)

    lane = lax.iota(jnp.int32, _L)
    base_row = (base + lane) * T

    def body(i, row0):
        l = len_v[pl.ds(i * _L, _L)]
        t = jnp.where(l == 0, T - 1, l - 1)
        idx_v[pl.ds(i * _L, _L)] = row0 + t
        return row0 + _L * T

    lax.fori_loop(0, _BPW // _L, body, base_row, unroll=False)

    sizes = (_BPW // 4, _BPW // 4, _BPW // 2)
    sems = (sem, sem2, sem3)
    offs, o = [], 0
    for s in sizes:
        offs.append(o)
        o += s
    gathers = [
        pltpu.async_copy(
            flat_hbm.at[idx_v.at[pl.ds(off, s)]],
            rows_v.at[pl.ds(off, s)], gs)
        for off, s, gs in zip(offs, sizes, sems)
    ]
    outs = []
    for g, off, s in zip(gathers, offs, sizes):
        g.wait()
        outs.append(pltpu.async_copy(
            rows_v.at[pl.ds(off, s)], out_hbm.at[pl.ds(base + off, s)], osem))
    for ocp in outs:
        ocp.wait()


@functools.partial(
    pl.kernel,
    mesh=plsc.VectorSubcoreMesh(core_axis_name="c", subcore_axis_name="s"),
    out_type=jax.ShapeDtypeStruct((B, H), jnp.float32),
    scratch_types=[
        pltpu.VMEM((_BPW,), jnp.int32),
        pltpu.VMEM((_BPW,), jnp.int32),
        pltpu.VMEM((_BPW, H), jnp.float32),
        pltpu.SemaphoreType.DMA,
        pltpu.SemaphoreType.DMA,
        pltpu.SemaphoreType.DMA,
        pltpu.SemaphoreType.DMA,
    ],
)
def _last_pool(flat_hbm, len_hbm, out_hbm, len_v, idx_v, rows_v, sem, sem2,
               sem3, osem):
    _last_pool_kernel(flat_hbm, len_hbm, out_hbm, len_v, idx_v, rows_v, sem,
                      sem2, sem3, osem)


def kernel(inputs, length):
    flat = inputs.reshape(B * T, H)
    return _last_pool(flat, length.astype(jnp.int32))

# --- scband reference (transcript-rebuilt; emitter-appended) ---
"""Pipeline reference for scband-last-pool-13640816132605 (READ-ONLY COPY).

The authoritative reference and input builder live on the scoring server;
editing this copy changes nothing except your own understanding.
"""

import jax, jax.numpy as jnp
import numpy as np

B, T, H = 4096, 200, 128

def setup_inputs(seed: int = 0) -> dict:
    key = jax.random.key(seed)
    k1, k2 = jax.random.split(key)
    inputs = jax.random.normal(k1, (B, T, H), dtype=jnp.float32)
    # harness fill=randint -> values in [0, 200); note length-1 == -1 wraps to last
    # timestep under both torch and numpy/jax indexing semantics, so behavior matches.
    length = jax.random.randint(k2, (B,), 0, 200)
    return {"inputs": inputs, "length": length}

def reference(inputs, length):
    batch_size = length.shape[0]
    # gather the hidden state at the last valid timestep for each sequence
    last_vector = inputs[jnp.arange(batch_size), length - 1]
    return last_vector

if __name__ == "__main__":
    import jax
    _d = setup_inputs()
    print(jax.jit(kernel)(*tuple(_d.values())))

</pallas_src>

<mosaic_0001>
#map = affine_map<(d0, d1) -> (0, 0)>
#map1 = affine_map<(d0, d1) -> (0)>
module attributes {stable_mosaic.version = 14 : i64} {
  func.func @_last_pool(%arg0: i32, %arg1: i32, %arg2: memref<819200x128xf32, #tpu.memory_space<hbm>>, %arg3: memref<4096xi32, #tpu.memory_space<hbm>>, %arg4: memref<4096x128xf32, #tpu.memory_space<hbm>>, %arg5: memref<128xi32, #tpu.memory_space<vmem>>, %arg6: memref<128xi32, #tpu.memory_space<vmem>>, %arg7: memref<128x128xf32, #tpu.memory_space<vmem>>, %arg8: memref<!tpu.dma_semaphore, #tpu.memory_space<semaphore_mem>>, %arg9: memref<!tpu.dma_semaphore, #tpu.memory_space<semaphore_mem>>, %arg10: memref<!tpu.dma_semaphore, #tpu.memory_space<semaphore_mem>>, %arg11: memref<!tpu.dma_semaphore, #tpu.memory_space<semaphore_mem>>) attributes {dimension_semantics = [#tpu.dimension_semantics<core_parallel>, #tpu.dimension_semantics<subcore_parallel>], iteration_bounds = array<i64: 2, 16>, scalar_prefetch = 0 : i64, scratch_operands = 7 : i64, tpu.core_type = #tpu.core_type<sc_vector_subcore>, window_params = [{transform_indices = #map}, {transform_indices = #map1}, {transform_indices = #map}]} {
    %mul3A = arith.constant 2 : i32
    %mul3A_0 = arith.muli %arg1, %mul3A : i32
    %add3A = arith.addi %mul3A_0, %arg0 : i32
    %mul3A_1 = arith.constant 128 : i32
    %mul3A_2 = arith.muli %add3A, %mul3A_1 : i32
    "tpu.region"() ({
      %run_scoped3A = tpu.sem_alloc : memref<!tpu.dma_semaphore, #tpu.memory_space<semaphore_mem>>
      %dma_start3A_125 = tpu.memref_slice %arg3[%mul3A_2] : memref<4096xi32, #tpu.memory_space<hbm>> -> memref<128xi32, #tpu.memory_space<hbm>>
      %dma_start3A_126 = tpu.memref_slice %arg3[%mul3A_2] : memref<4096xi32, #tpu.memory_space<hbm>> -> memref<128xi32, #tpu.memory_space<hbm>>
      tpu.enqueue_dma source(%dma_start3A_126 : memref<128xi32, #tpu.memory_space<hbm>>) target(%arg5 : memref<128xi32, #tpu.memory_space<vmem>>) target_semaphore(%run_scoped3A : memref<!tpu.dma_semaphore, #tpu.memory_space<semaphore_mem>>)
      %dma_wait3A_127 = tpu.memref_slice %arg3[%mul3A_2] : memref<4096xi32, #tpu.memory_space<hbm>> -> memref<128xi32, #tpu.memory_space<hbm>>
      %dma_wait3A_128 = tpu.memref_slice %arg3[%mul3A_2] : memref<4096xi32, #tpu.memory_space<hbm>> -> memref<128xi32, #tpu.memory_space<hbm>>
      tpu.wait_dma2 semaphore(%run_scoped3A : memref<!tpu.dma_semaphore, #tpu.memory_space<semaphore_mem>>) src(%dma_wait3A_128 : memref<128xi32, #tpu.memory_space<hbm>>) dst(%arg5 : memref<128xi32, #tpu.memory_space<vmem>>)
      tpu.yield
    }) : () -> ()
    %iota3A = tpu.iota {dimensions = array<i32: 0>} : vector<16xi32>
    %add3A_3 = vector.broadcast %mul3A_2 : i32 to vector<16xi32>
    %add3A_4 = arith.addi %add3A_3, %iota3A : vector<16xi32>
    %mul3A_5 = arith.constant 200 : i32
    %mul3A_6 = vector.broadcast %mul3A_5 : i32 to vector<16xi32>
    %mul3A_7 = arith.muli %add3A_4, %mul3A_6 : vector<16xi32>
    %scan3A = arith.constant 0 : i32
    %scan3A_8 = arith.constant 8 : i32
    %scan3A_9 = arith.addi %scan3A, %scan3A_8 : i32
    %scan3A_10 = arith.constant 1 : i32
    %scan3A_11 = scf.for %scan3A_125 = %scan3A to %scan3A_9 step %scan3A_10 iter_args(%scan3A_126 = %mul3A_7) -> (vector<16xi32>)  : i32 {
      %mul3A_127 = arith.constant 16 : i32
      %mul3A_128 = arith.muli %scan3A_125, %mul3A_127 : i32
      %get3A = arith.index_cast %mul3A_128 : i32 to index
      %get3A_129 = tpu.vector_load %arg5[%get3A] {strides = array<i32>} : memref<128xi32, #tpu.memory_space<vmem>>, vector<16xi32>,
      %get3A_130 = vector.shape_cast %get3A_129 : vector<16xi32> to vector<16xi32>
      %eq3A = arith.constant 0 : i32
      %eq3A_131 = vector.broadcast %eq3A : i32 to vector<16xi32>
      %eq3A_132 = arith.cmpi eq, %get3A_130, %eq3A_131 : vector<16xi32>
      %sub3A = arith.constant 1 : i32
      %sub3A_133 = vector.broadcast %sub3A : i32 to vector<16xi32>
      %sub3A_134 = arith.subi %get3A_130, %sub3A_133 : vector<16xi32>
      %jit3A = arith.constant 199 : i32
      %broadcast_in_dim3A = vector.broadcast %jit3A : i32 to vector<16xi32>
      %select_n3A = arith.select %eq3A_132, %broadcast_in_dim3A, %sub3A_134 : vector<16xi1>, vector<16xi32>
      %add3A_135 = arith.addi %scan3A_126, %select_n3A : vector<16xi32>
      %mul3A_136 = arith.constant 16 : i32
      %mul3A_137 = arith.muli %scan3A_125, %mul3A_136 : i32
      %swap3A = arith.index_cast %mul3A_137 : i32 to index
      %swap3A_138 = tpu.vector_load %arg6[%swap3A] {strides = array<i32>} : memref<128xi32, #tpu.memory_space<vmem>>, vector<16xi32>,
      %swap3A_139 = vector.shape_cast %swap3A_138 : vector<16xi32> to vector<16xi32>
      %swap3A_140 = vector.shape_cast %add3A_135 : vector<16xi32> to vector<16xi32>
      tpu.vector_store %arg6[%swap3A], %swap3A_140 {strides = array<i32>} : memref<128xi32, #tpu.memory_space<vmem>>, vector<16xi32>,
      %add3A_141 = arith.constant 3200 : i32
      %add3A_142 = vector.broadcast %add3A_141 : i32 to vector<16xi32>
      %add3A_143 = arith.addi %scan3A_126, %add3A_142 : vector<16xi32>
      scf.yield %add3A_143 : vector<16xi32>
    }
    %scan3A_12 = arith.constant 8 : i32
    %dma_start3A = arith.constant 0 : i32
    %dma_start3A_13 = arith.constant 0 : i32
    %dma_start3A_14 = tpu.memref_slice %arg7[%dma_start3A, %dma_start3A_13] : memref<128x128xf32, #tpu.memory_space<vmem>> -> memref<32x128xf32, #tpu.memory_space<vmem>>
    %dma_start3A_15 = arith.constant 0 : i32
    %dma_start3A_16 = tpu.memref_slice %arg6[%dma_start3A_15] : memref<128xi32, #tpu.memory_space<vmem>> -> memref<32xi32, #tpu.memory_space<vmem>>
    %dma_start3A_17 = arith.constant 0 : i32
    %dma_start3A_18 = arith.constant 0 : i32
    %dma_start3A_19 = tpu.memref_slice %arg2[%dma_start3A_17, %dma_start3A_18] : memref<819200x128xf32, #tpu.memory_space<hbm>> -> memref<819200x128xf32, #tpu.memory_space<hbm>>
    tpu.enqueue_indirect_dma source(%dma_start3A_19 : memref<819200x128xf32, #tpu.memory_space<hbm>>) target(%dma_start3A_14 : memref<32x128xf32, #tpu.memory_space<vmem>>) offsets(%dma_start3A_16 : memref<32xi32, #tpu.memory_space<vmem>>) semaphore(%arg8 : memref<!tpu.dma_semaphore, #tpu.memory_space<semaphore_mem>>)
    %dma_start3A_20 = arith.constant 32 : i32
    %dma_start3A_21 = arith.constant 0 : i32
    %dma_start3A_22 = tpu.memref_slice %arg7[%dma_start3A_20, %dma_start3A_21] : memref<128x128xf32, #tpu.memory_space<vmem>> -> memref<32x128xf32, #tpu.memory_space<vmem>>
    %dma_start3A_23 = arith.constant 32 : i32
    %dma_start3A_24 = tpu.memref_slice %arg6[%dma_start3A_23] : memref<128xi32, #tpu.memory_space<vmem>> -> memref<32xi32, #tpu.memory_space<vmem>>
    %dma_start3A_25 = arith.constant 0 : i32
    %dma_start3A_26 = arith.constant 0 : i32
    %dma_start3A_27 = tpu.memref_slice %arg2[%dma_start3A_25, %dma_start3A_26] : memref<819200x128xf32, #tpu.memory_space<hbm>> -> memref<819200x128xf32, #tpu.memory_space<hbm>>
    tpu.enqueue_indirect_dma source(%dma_start3A_27 : memref<819200x128xf32, #tpu.memory_space<hbm>>) target(%dma_start3A_22 : memref<32x128xf32, #tpu.memory_space<vmem>>) offsets(%dma_start3A_24 : memref<32xi32, #tpu.memory_space<vmem>>) semaphore(%arg9 : memref<!tpu.dma_semaphore, #tpu.memory_space<semaphore_mem>>)
    %dma_start3A_28 = arith.constant 64 : i32
    %dma_start3A_29 = arith.constant 0 : i32
    %dma_start3A_30 = tpu.memref_slice %arg7[%dma_start3A_28, %dma_start3A_29] : memref<128x128xf32, #tpu.memory_space<vmem>> -> memref<64x128xf32, #tpu.memory_space<vmem>>
    %dma_start3A_31 = arith.constant 64 : i32
    %dma_start3A_32 = tpu.memref_slice %arg6[%dma_start3A_31] : memref<128xi32, #tpu.memory_space<vmem>> -> memref<64xi32, #tpu.memory_space<vmem>>
    %dma_start3A_33 = arith.constant 0 : i32
    %dma_start3A_34 = arith.constant 0 : i32
    %dma_start3A_35 = tpu.memref_slice %arg2[%dma_start3A_33, %dma_start3A_34] : memref<819200x128xf32, #tpu.memory_space<hbm>> -> memref<819200x128xf32, #tpu.memory_space<hbm>>
    tpu.enqueue_indirect_dma source(%dma_start3A_35 : memref<819200x128xf32, #tpu.memory_space<hbm>>) target(%dma_start3A_30 : memref<64x128xf32, #tpu.memory_space<vmem>>) offsets(%dma_start3A_32 : memref<64xi32, #tpu.memory_space<vmem>>) semaphore(%arg10 : memref<!tpu.dma_semaphore, #tpu.memory_space<semaphore_mem>>)
    %dma_wait3A = arith.constant 0 : i32
    %dma_wait3A_36 = arith.constant 0 : i32
    %dma_wait3A_37 = tpu.memref_slice %arg7[%dma_wait3A, %dma_wait3A_36] : memref<128x128xf32, #tpu.memory_space<vmem>> -> memref<32x128xf32, #tpu.memory_space<vmem>>
    %dma_wait3A_38 = arith.constant 0 : i32
    %dma_wait3A_39 = tpu.memref_slice %arg6[%dma_wait3A_38] : memref<128xi32, #tpu.memory_space<vmem>> -> memref<32xi32, #tpu.memory_space<vmem>>
    %dma_wait3A_40 = arith.constant 0 : i32
    %dma_wait3A_41 = arith.constant 0 : i32
    %dma_wait3A_42 = tpu.memref_slice %arg2[%dma_wait3A_40, %dma_wait3A_41] : memref<819200x128xf32, #tpu.memory_space<hbm>> -> memref<819200x128xf32, #tpu.memory_space<hbm>>
    tpu.wait_indirect_dma semaphore(%arg8 : memref<!tpu.dma_semaphore, #tpu.memory_space<semaphore_mem>>) src(%dma_wait3A_42 : memref<819200x128xf32, #tpu.memory_space<hbm>>) dst(%dma_wait3A_37 : memref<32x128xf32, #tpu.memory_space<vmem>>)
    %add3A_43 = arith.constant 0 : i32
    %add3A_44 = arith.addi %mul3A_2, %add3A_43 : i32
    %dma_start3A_45 = arith.constant 0 : i32
    %dma_start3A_46 = arith.constant 0 : i32
    %dma_start3A_47 = tpu.memref_slice %arg7[%dma_start3A_45, %dma_start3A_46] : memref<128x128xf32, #tpu.memory_space<vmem>> -> memref<32x128xf32, #tpu.memory_space<vmem>>
    %dma_start3A_48 = arith.constant 0 : i32
    %dma_start3A_49 = tpu.memref_slice %arg4[%add3A_44, %dma_start3A_48] : memref<4096x128xf32, #tpu.memory_space<hbm>> -> memref<32x128xf32, #tpu.memory_space<hbm>>
    %dma_start3A_50 = arith.constant 0 : i32
    %dma_start3A_51 = tpu.memref_slice %arg4[%add3A_44, %dma_start3A_50] : memref<4096x128xf32, #tpu.memory_space<hbm>> -> memref<32x128xf32, #tpu.memory_space<hbm>>
    %dma_start3A_52 = arith.constant 0 : i32
    %dma_start3A_53 = arith.constant 0 : i32
    %dma_start3A_54 = tpu.memref_slice %arg7[%dma_start3A_52, %dma_start3A_53] : memref<128x128xf32, #tpu.memory_space<vmem>> -> memref<32x128xf32, #tpu.memory_space<vmem>>
    tpu.enqueue_dma source(%dma_start3A_54 : memref<32x128xf32, #tpu.memory_space<vmem>>) target(%dma_start3A_51 : memref<32x128xf32, #tpu.memory_space<hbm>>) target_semaphore(%arg11 : memref<!tpu.dma_semaphore, #tpu.memory_space<semaphore_mem>>)
    %dma_wait3A_55 = arith.constant 32 : i32
    %dma_wait3A_56 = arith.constant 0 : i32
    %dma_wait3A_57 = tpu.memref_slice %arg7[%dma_wait3A_55, %dma_wait3A_56] : memref<128x128xf32, #tpu.memory_space<vmem>> -> memref<32x128xf32, #tpu.memory_space<vmem>>
    %dma_wait3A_58 = arith.constant 32 : i32
    %dma_wait3A_59 = tpu.memref_slice %arg6[%dma_wait3A_58] : memref<128xi32, #tpu.memory_space<vmem>> -> memref<32xi32, #tpu.memory_space<vmem>>
    %dma_wait3A_60 = arith.constant 0 : i32
    %dma_wait3A_61 = arith.constant 0 : i32
    %dma_wait3A_62 = tpu.memref_slice %arg2[%dma_wait3A_60, %dma_wait3A_61] : memref<819200x128xf32, #tpu.memory_space<hbm>> -> memref<819200x128xf32, #tpu.memory_space<hbm>>
    tpu.wait_indirect_dma semaphore(%arg9 : memref<!tpu.dma_semaphore, #tpu.memory_space<semaphore_mem>>) src(%dma_wait3A_62 : memref<819200x128xf32, #tpu.memory_space<hbm>>) dst(%dma_wait3A_57 : memref<32x128xf32, #tpu.memory_space<vmem>>)
    %add3A_63 = arith.constant 32 : i32
    %add3A_64 = arith.addi %mul3A_2, %add3A_63 : i32
    %dma_start3A_65 = arith.constant 32 : i32
    %dma_start3A_66 = arith.constant 0 : i32
    %dma_start3A_67 = tpu.memref_slice %arg7[%dma_start3A_65, %dma_start3A_66] : memref<128x128xf32, #tpu.memory_space<vmem>> -> memref<32x128xf32, #tpu.memory_space<vmem>>
    %dma_start3A_68 = arith.constant 0 : i32
    %dma_start3A_69 = tpu.memref_slice %arg4[%add3A_64, %dma_start3A_68] : memref<4096x128xf32, #tpu.memory_space<hbm>> -> memref<32x128xf32, #tpu.memory_space<hbm>>
    %dma_start3A_70 = arith.constant 0 : i32
    %dma_start3A_71 = tpu.memref_slice %arg4[%add3A_64, %dma_start3A_70] : memref<4096x128xf32, #tpu.memory_space<hbm>> -> memref<32x128xf32, #tpu.memory_space<hbm>>
    %dma_start3A_72 = arith.constant 32 : i32
    %dma_start3A_73 = arith.constant 0 : i32
    %dma_start3A_74 = tpu.memref_slice %arg7[%dma_start3A_72, %dma_start3A_73] : memref<128x128xf32, #tpu.memory_space<vmem>> -> memref<32x128xf32, #tpu.memory_space<vmem>>
    tpu.enqueue_dma source(%dma_start3A_74 : memref<32x128xf32, #tpu.memory_space<vmem>>) target(%dma_start3A_71 : memref<32x128xf32, #tpu.memory_space<hbm>>) target_semaphore(%arg11 : memref<!tpu.dma_semaphore, #tpu.memory_space<semaphore_mem>>)
    %dma_wait3A_75 = arith.constant 64 : i32
    %dma_wait3A_76 = arith.constant 0 : i32
    %dma_wait3A_77 = tpu.memref_slice %arg7[%dma_wait3A_75, %dma_wait3A_76] : memref<128x128xf32, #tpu.memory_space<vmem>> -> memref<64x128xf32, #tpu.memory_space<vmem>>
    %dma_wait3A_78 = arith.constant 64 : i32
    %dma_wait3A_79 = tpu.memref_slice %arg6[%dma_wait3A_78] : memref<128xi32, #tpu.memory_space<vmem>> -> memref<64xi32, #tpu.memory_space<vmem>>
    %dma_wait3A_80 = arith.constant 0 : i32
    %dma_wait3A_81 = arith.constant 0 : i32
    %dma_wait3A_82 = tpu.memref_slice %arg2[%dma_wait3A_80, %dma_wait3A_81] : memref<819200x128xf32, #tpu.memory_space<hbm>> -> memref<819200x128xf32, #tpu.memory_space<hbm>>
    tpu.wait_indirect_dma semaphore(%arg10 : memref<!tpu.dma_semaphore, #tpu.memory_space<semaphore_mem>>) src(%dma_wait3A_82 : memref<819200x128xf32, #tpu.memory_space<hbm>>) dst(%dma_wait3A_77 : memref<64x128xf32, #tpu.memory_space<vmem>>)
    %add3A_83 = arith.constant 64 : i32
    %add3A_84 = arith.addi %mul3A_2, %add3A_83 : i32
    %dma_start3A_85 = arith.constant 64 : i32
    %dma_start3A_86 = arith.constant 0 : i32
    %dma_start3A_87 = tpu.memref_slice %arg7[%dma_start3A_85, %dma_start3A_86] : memref<128x128xf32, #tpu.memory_space<vmem>> -> memref<64x128xf32, #tpu.memory_space<vmem>>
    %dma_start3A_88 = arith.constant 0 : i32
    %dma_start3A_89 = tpu.memref_slice %arg4[%add3A_84, %dma_start3A_88] : memref<4096x128xf32, #tpu.memory_space<hbm>> -> memref<64x128xf32, #tpu.memory_space<hbm>>
    %dma_start3A_90 = arith.constant 0 : i32
    %dma_start3A_91 = tpu.memref_slice %arg4[%add3A_84, %dma_start3A_90] : memref<4096x128xf32, #tpu.memory_space<hbm>> -> memref<64x128xf32, #tpu.memory_space<hbm>>
    %dma_start3A_92 = arith.constant 64 : i32
    %dma_start3A_93 = arith.constant 0 : i32
    %dma_start3A_94 = tpu.memref_slice %arg7[%dma_start3A_92, %dma_start3A_93] : memref<128x128xf32, #tpu.memory_space<vmem>> -> memref<64x128xf32, #tpu.memory_space<vmem>>
    tpu.enqueue_dma source(%dma_start3A_94 : memref<64x128xf32, #tpu.memory_space<vmem>>) target(%dma_start3A_91 : memref<64x128xf32, #tpu.memory_space<hbm>>) target_semaphore(%arg11 : memref<!tpu.dma_semaphore, #tpu.memory_space<semaphore_mem>>)
    %dma_wait3A_95 = arith.constant 0 : i32
    %dma_wait3A_96 = arith.constant 0 : i32
    %dma_wait3A_97 = tpu.memref_slice %arg7[%dma_wait3A_95, %dma_wait3A_96] : memref<128x128xf32, #tpu.memory_space<vmem>> -> memref<32x128xf32, #tpu.memory_space<vmem>>
    %dma_wait3A_98 = arith.constant 0 : i32
    %dma_wait3A_99 = tpu.memref_slice %arg4[%add3A_44, %dma_wait3A_98] : memref<4096x128xf32, #tpu.memory_space<hbm>> -> memref<32x128xf32, #tpu.memory_space<hbm>>
    %dma_wait3A_100 = arith.constant 0 : i32
    %dma_wait3A_101 = tpu.memref_slice %arg4[%add3A_44, %dma_wait3A_100] : memref<4096x128xf32, #tpu.memory_space<hbm>> -> memref<32x128xf32, #tpu.memory_space<hbm>>
    %dma_wait3A_102 = arith.constant 0 : i32
    %dma_wait3A_103 = arith.constant 0 : i32
    %dma_wait3A_104 = tpu.memref_slice %arg7[%dma_wait3A_102, %dma_wait3A_103] : memref<128x128xf32, #tpu.memory_space<vmem>> -> memref<32x128xf32, #tpu.memory_space<vmem>>
    tpu.wait_dma2 semaphore(%arg11 : memref<!tpu.dma_semaphore, #tpu.memory_space<semaphore_mem>>) src(%dma_wait3A_104 : memref<32x128xf32, #tpu.memory_space<vmem>>) dst(%dma_wait3A_101 : memref<32x128xf32, #tpu.memory_space<hbm>>)
    %dma_wait3A_105 = arith.constant 32 : i32
    %dma_wait3A_106 = arith.constant 0 : i32
    %dma_wait3A_107 = tpu.memref_slice %arg7[%dma_wait3A_105, %dma_wait3A_106] : memref<128x128xf32, #tpu.memory_space<vmem>> -> memref<32x128xf32, #tpu.memory_space<vmem>>
    %dma_wait3A_108 = arith.constant 0 : i32
    %dma_wait3A_109 = tpu.memref_slice %arg4[%add3A_64, %dma_wait3A_108] : memref<4096x128xf32, #tpu.memory_space<hbm>> -> memref<32x128xf32, #tpu.memory_space<hbm>>
    %dma_wait3A_110 = arith.constant 0 : i32
    %dma_wait3A_111 = tpu.memref_slice %arg4[%add3A_64, %dma_wait3A_110] : memref<4096x128xf32, #tpu.memory_space<hbm>> -> memref<32x128xf32, #tpu.memory_space<hbm>>
    %dma_wait3A_112 = arith.constant 32 : i32
    %dma_wait3A_113 = arith.constant 0 : i32
    %dma_wait3A_114 = tpu.memref_slice %arg7[%dma_wait3A_112, %dma_wait3A_113] : memref<128x128xf32, #tpu.memory_space<vmem>> -> memref<32x128xf32, #tpu.memory_space<vmem>>
    tpu.wait_dma2 semaphore(%arg11 : memref<!tpu.dma_semaphore, #tpu.memory_space<semaphore_mem>>) src(%dma_wait3A_114 : memref<32x128xf32, #tpu.memory_space<vmem>>) dst(%dma_wait3A_111 : memref<32x128xf32, #tpu.memory_space<hbm>>)
    %dma_wait3A_115 = arith.constant 64 : i32
    %dma_wait3A_116 = arith.constant 0 : i32
    %dma_wait3A_117 = tpu.memref_slice %arg7[%dma_wait3A_115, %dma_wait3A_116] : memref<128x128xf32, #tpu.memory_space<vmem>> -> memref<64x128xf32, #tpu.memory_space<vmem>>
    %dma_wait3A_118 = arith.constant 0 : i32
    %dma_wait3A_119 = tpu.memref_slice %arg4[%add3A_84, %dma_wait3A_118] : memref<4096x128xf32, #tpu.memory_space<hbm>> -> memref<64x128xf32, #tpu.memory_space<hbm>>
    %dma_wait3A_120 = arith.constant 0 : i32
    %dma_wait3A_121 = tpu.memref_slice %arg4[%add3A_84, %dma_wait3A_120] : memref<4096x128xf32, #tpu.memory_space<hbm>> -> memref<64x128xf32, #tpu.memory_space<hbm>>
    %dma_wait3A_122 = arith.constant 64 : i32
    %dma_wait3A_123 = arith.constant 0 : i32
    %dma_wait3A_124 = tpu.memref_slice %arg7[%dma_wait3A_122, %dma_wait3A_123] : memref<128x128xf32, #tpu.memory_space<vmem>> -> memref<64x128xf32, #tpu.memory_space<vmem>>
    tpu.wait_dma2 semaphore(%arg11 : memref<!tpu.dma_semaphore, #tpu.memory_space<semaphore_mem>>) src(%dma_wait3A_124 : memref<64x128xf32, #tpu.memory_space<vmem>>) dst(%dma_wait3A_121 : memref<64x128xf32, #tpu.memory_space<hbm>>)
    return
  }
}

</mosaic_0001>

<sc_bundles>
// kernel: kernel.3.cloned.1.call-start
scs
__scs_entry_jumppad:
0x0: {  	(pc) =	sbr.rel $0x88, $3  }
0x1: {  	(tag) =	ssettag $0x0;
	lr =	simm.s32 $0x1  }
0x2: {  	[smem:$0x3F9F] =	sst lr;
	_ =	strace $0xD0000000  }
0x3: {  	_ = 	snop  }
0x4: {  	_ = 	snop  }
0x5: {  	_ = 	snop  }
0x6: {  	_ = 	snop  }
0x7: {  	_ = 	snop  }
__scs_overlays_trampoline_lowered:
0x8: {  	[smem:$0x3FAE] =	sst s0  }
0x9: {  	[smem:$0x3FAF] =	sst s1  }
0xa: {  	[smem:$0x3FB0] =	sst s2  }
0xb: {  	[smem:$0x3FB1] =	sst s3  }
0xc: {  	[smem:$0x3FB2] =	sst s4  }
0xd: {  	[smem:$0x3FB3] =	sst s5  }
0xe: {  	[smem:$0x3FB4] =	sst s6  }
0xf: {  	[smem:$0x3FB5] =	sst s7  }
0x10: {  	[smem:$0x3FB6] =	sst s8  }
0x11: {  	[smem:$0x3FB7] =	sst s9;
	s0 =	simm.s32 @!p0 $0x0  }
0x12: {  	s1 =	sld [smem:$0x3F9D];
	s0 =	simm.s32 @p0 $0x1  }
0x13: {  	[smem:$0x3FB8] =	sst s0;
	s0 =	simm.s32 @!p1 $0x0  }
0x14: {  	s2 =	sld [smem:$0x3F9C];
	s0 =	simm.s32 @p1 $0x1  }
0x15: {  	[smem:$0x3FB9] =	sst s0;
	s0 =	simm.s32 @!p2 $0x0  }
0x16: {  	s3 =	sld [smem:$0x3FDB];
	s0 =	simm.s32 @p2 $0x1  }
0x17: {  	s4 =	simm.s32 $0x1BF5;
	[smem:$0x3FBB] =	sst s0  }
0x18: {  	s0 =	sld [smem:$0x3F9E];
	_ =	swait.ge [sflag:s4], $0x0  }
0x19: {  	s7 =	sld [smem:$0x3F9F]  }
0x1a: {  	s8 =	sadd.s32 $0xFFFFE003, lr  }
0x1b: {  	s9 =	sadd.s32 $0xFFFFFEF7, lr;
	s5 =	simm.s32 $0xFFFFFFFF;
	p2 =	slt.u32 s8, $0xFFFFF086  }
0x1c: {  	p1 =	slt.u32 s9, $0xF7A;
	s5 =	simm.s32 @!p2 $0x0  }
0x1d: {  	s5 =	simm.s32 @p1 $0x1;
	p0 =	seq.s32 s7, s2  }
0x1e: {  	s7 =	smul.u32 @!p0 $0xF7A, s2;
	p2 =	seq.s32 @!p0 s5, $0x0  }
0x1f: {  	s9 =	smul.u32 $0xF7A, s1;
	s8 =	simm.s32 @!p0 $0x1BF5;
	p2 =	por !p2, p0  }
0x20: {  	[sflag:s8] =	ssyncset.s32 @!p0 $0xFFFFF086;
	s6 =	sadd.s32 @!p0 s3, s7;
	s7 =	simm.s32 @!p0 $0x108  }
0x21: {  	s3 =	sadd.s32 s3, s9;
	s6 =	sadd.s32 @!p0 $0x88, s6;
	s7 =	simm.s32 @p2 $0x1082  }
0x22: {  	[simem:s7], [sflag:s8] =	dma.local @!p0 [hbm:s6], $0xF7A  }
0x23: {  	s9 =	sor.u32 $0xD0000000, s2;
	s6 =	simm.s32 $0x108;
	_ =	swait.ge @!p0 [sflag:s8], $0x0  }
0x24: {  	s3 =	sadd.s32 $0x88, s3;
	s6 =	simm.s32 @!p1 $0x1082;
	[sflag:s4] =	ssyncset.s32 $0xFFFFF086  }
0x25: {  	[simem:s6], [sflag:s4] =	dma.local [hbm:s3], $0xF7A  }
0x26: {  	[smem:$0x3F9F] =	sst s1;
	(tag) =	ssettag s2;
	_ =	strace s9  }
0x27: {  	s1 =	sld [smem:$0x3FAF]  }
0x28: {  	s2 =	sld [smem:$0x3FB0]  }
0x29: {  	s4 =	sld [smem:$0x3FB2]  }
0x2a: {  	p0 =	seq.s32 s5, $0x0;
	s5 =	sld [smem:$0x3FB3]  }
0x2b: {  	s6 =	sld [smem:$0x3FB4]  }
0x2c: {  	s7 =	sld [smem:$0x3FB5]  }
0x2d: {  	s3 =	simm.s32 $0x108;
	s8 =	sld [smem:$0x3FB6]  }
0x2e: {  	s3 =	simm.s32 @!p0 $0x1082;
	s9 =	sld [smem:$0x3FB7]  }
0x2f: {  	lr =	sadd.s32 s0, s3;
	s0 =	sld [smem:$0x3FAE]  }
0x30: {  	s3 =	sld [smem:$0x3FB1]  }
0x31: {  	[smem:$0x3FBA] =	sst s10  }
0x32: {  	s10 =	sld [smem:$0x3FB8];
	_ =	sdelay $0x3  }
0x33: {  	p0 =	seq.s32 s10, $0x1;
	s10 =	sld [smem:$0x3FBA];
	_ =	sdelay $0x3  }
0x34: {  	[smem:$0x3FBA] =	sst s10  }
0x35: {  	s10 =	sld [smem:$0x3FB9];
	_ =	sdelay $0x3  }
0x36: {  	p1 =	seq.s32 s10, $0x1;
	s10 =	sld [smem:$0x3FBA];
	_ =	sdelay $0x3  }
0x37: {  	[smem:$0x3FBA] =	sst s10  }
0x38: {  	s10 =	sld [smem:$0x3FBB]  }
0x39: {  	_ = 	snop;
	(pc) =	sbr.ind lr, $3  }
0x3a: {  	_ = 	snop  }
0x3b: {  	_ = 	snop  }
0x3c: {  	p2 =	seq.s32 s10, $0x1;
	s10 =	sld [smem:$0x3FBA]  }
0x3d: {  	_ =	shalt  }
0x3e: {  	_ =	shalt  }
0x3f: {  	_ =	shalt  }
0x40: {  	_ =	shalt  }
0x41: {  	_ =	shalt  }
0x42: {  	_ =	shalt  }
0x43: {  	_ =	shalt  }
0x44: {  	_ =	shalt  }
0x45: {  	_ =	shalt  }
0x46: {  	_ =	shalt  }
0x47: {  	_ =	shalt  }
0x48: {  	_ =	shalt  }
0x49: {  	_ =	shalt  }
0x4a: {  	_ =	shalt  }
0x4b: {  	_ =	shalt  }
0x4c: {  	_ =	shalt  }
0x4d: {  	_ =	shalt  }
0x4e: {  	_ =	shalt  }
0x4f: {  	_ =	shalt  }
0x50: {  	_ =	shalt  }
0x51: {  	_ =	shalt  }
0x52: {  	_ =	shalt  }
0x53: {  	_ =	shalt  }
0x54: {  	_ =	shalt  }
0x55: {  	_ =	shalt  }
0x56: {  	_ =	shalt  }
0x57: {  	_ =	shalt  }
0x58: {  	_ =	shalt  }
0x59: {  	_ =	shalt  }
0x5a: {  	_ =	shalt  }
0x5b: {  	_ =	shalt  }
0x5c: {  	_ =	shalt  }
0x5d: {  	_ =	shalt  }
0x5e: {  	_ =	shalt  }
0x5f: {  	_ =	shalt  }
0x60: {  	_ =	shalt  }
0x61: {  	_ =	shalt  }
0x62: {  	_ =	shalt  }
0x63: {  	_ =	shalt  }
0x64: {  	_ =	shalt  }
0x65: {  	_ =	shalt  }
0x66: {  	_ =	shalt  }
0x67: {  	_ =	shalt  }
0x68: {  	_ =	shalt  }
0x69: {  	_ =	shalt  }
0x6a: {  	_ =	shalt  }
0x6b: {  	_ =	shalt  }
0x6c: {  	_ =	shalt  }
0x6d: {  	_ =	shalt  }
0x6e: {  	_ =	shalt  }
0x6f: {  	_ =	shalt  }
0x70: {  	_ =	shalt  }
0x71: {  	_ =	shalt  }
0x72: {  	_ =	shalt  }
0x73: {  	_ =	shalt  }
0x74: {  	_ =	shalt  }
0x75: {  	_ =	shalt  }
0x76: {  	_ =	shalt  }
0x77: {  	_ =	shalt  }
0x78: {  	_ =	shalt  }
0x79: {  	_ =	shalt  }
0x7a: {  	_ =	shalt  }
0x7b: {  	_ =	shalt  }
0x7c: {  	_ =	shalt  }
0x7d: {  	_ =	shalt  }
0x7e: {  	_ =	shalt  }
0x7f: {  	_ =	shalt  }
0x80: {  	_ =	shalt  }
0x81: {  	_ =	shalt  }
0x82: {  	_ =	shalt  }
0x83: {  	_ =	shalt  }
0x84: {  	_ =	shalt  }
0x85: {  	_ =	shalt  }
0x86: {  	_ =	shalt  }
0x87: {  	_ =	shalt  }
.Lfunc_end0:
.L_simem_size_0:
called_computation_lowered:
.L_overlay_start_0:
0x88: {  	s2 =	sld [smem:$0x3FD9]  }
0x89: {  	s3 =	sld [smem:$0x3FFE];
	_ =	sdelay $0x1  }
0x8a: {  	s1 =	srdreg.scid  }
0x8b: {  	s0 =	sand.u32 $0x1, s1  }
0x8c: {  	s18 =	sshll.u32 s0, $0xA;
	s2 =	sadd.s32 s3, s2  }
0x8d: {  	s2 =	sadd.s32 s2, s18  }
0x8e: {  	[smem:$0x3FC6] =	sst s2  }
0x8f: {  	_ = 	snop  }
0x90: {  	s2 =	sld [smem:$0x3FC9]  }
0x91: {  	s19 =	sld [smem:$0x3FC8]  }
0x92: {  	s4 =	sld [smem:$0x3FD0];
	(tm) =	ssettm $0x1  }
0x93: {  	s5 =	sld [smem:$0x3FFB];
	_ =	sdelay $0x3  }
0x94: {  	_ =	strace s5  }
0x95: {  	s5 =	sld [smem:$0x3FFC];
	_ =	sdelay $0x3  }
0x96: {  	_ =	strace s5  }
0x97: {  	s5 =	sld [smem:$0x3FFD];
	_ =	sdelay $0x3  }
0x98: {  	_ =	strace s5  }
0x99: {  	_ =	strace $0x8FFFFFFF  }
0x9a: {  	s20 =	sld [smem:$0x3FDB];
	_ =	sdelay $0x1  }
0x9b: {  	s6 =	simm.s32 $_scs_section_size  }
0x9c: {  	s7 =	simm.s32 $_size__tile_overlayer_lowered;
	s8 =	simm.s32 $_tile_overlayer_lowered  }
0x9d: {  	s23 =	simm.s32 $0x1BFF;
	s22 =	sshll.u32 s8, $0x1;
	s5 =	sadd.s32 s6, s20  }
0x9e: {  	s9 =	simm.s32 $0x0;
	s21 =	sshll.u32 s7, $0x1;
	s7 =	sadd.s32 s22, s5  }
0x9f: {  	[timem:s9], [sflag:s23] =	dma.local [hbm:s7], s21  }
0xa0: {  	_ =	swait.ge [sflag:s23], s21  }
0xa1: {  	s6 =	ssub.s32 $0x0, s21;
	[sflag:s23] =	ssyncset.done $0x0  }
0xa2: {  	[sflag:s23] =	ssyncadd.s32 s6;
	_ =	sdelay $0x1  }
0xa3: {  	s24 =	simm.s32 $0x1B8B  }
0xa4: {  	_ =	swait.ge [sflag:s24], $0x1  }
0xa5: {  	[sflag:s24] =	ssyncset.done $0x0  }
0xa6: {  	s25 =	simm.s32 $0x1B8E;
	[sflag:s24] =	ssyncadd.s32 $0xFFFFFFFF  }
0xa7: {  	s26 =	simm.s32 $execute0_lowered;
	[smem:$0x3FD2] =	sst s25  }
0xa8: {  	s6 =	sshll.u32 s26, $0x1;
	_ =	strace $0x80000046;
	[dreg:$0x1] =	wrdreg $0xFFFFFFFF  }
0xa9: {  	s28 =	simm.s32 $_size_execute0_lowered;
	s5 =	sadd.s32 s5, s6;
	[dreg:$0x0] =	wrdreg $0x0  }
0xaa: {  	s6 =	sshll.u32 s28, $0x1;
	[dreg:$0x2] =	wrdreg s5  }
0xab: {  	[dreg:$0x3] =	wrdreg s6  }
0xac: {  	[dreg:$0x4] =	wrdreg $0xC0  }
0xad: {  	_ =	task [dreg:s9], $0x5FFFF  }
0xae: {  	[dreg:$0x1] =	wrdreg $0xFFFFFFFF  }
0xaf: {  	[dreg:$0x0] =	wrdreg $0x60  }
0xb0: {  	[dreg:$0x2] =	wrdreg s2  }
0xb1: {  	[dreg:$0x3] =	wrdreg s19  }
0xb2: {  	[dreg:$0x4] =	wrdreg s4  }
0xb3: {  	[dreg:$0x5] =	wrdreg $0x9  }
0xb4: {  	_ =	task.clear_ibuf [dreg:s9], $0x6FFFF;
	_ =	strace $0x90000046  }
0xb5: {  	s29 =	simm.s32 $0x9;
	_ =	strace $0x80000048  }
0xb6: {  	_ =	swait.ge [sflag:s29], $0x1  }
0xb7: {  	[sflag:s29] =	ssyncadd.s32 $0xFFFFFFFF  }
0xb8: {  	_ =	strace $0x90000048  }
0xb9: {  	_ =	sfence  }
0xba: {  	s30 =	sld [smem:$0x0];
	_ =	sdelay $0x2  }
0xbb: {  	s31 =	sshll.u32 s1, $0xD;
	s1 =	sshrl.u32 s1, $0x2  }
0xbc: {  	s3 =	sand.u32 $0x4000, s31;
	s1 =	sadd.s32 s1, s30  }
0xbd: {  	s0 =	sor.u32 s3, s0;
	s1 =	sshll.u32 s1, $0x11  }
0xbe: {  	s0 =	sor.u32 s1, s0  }
0xbf: {  	s0 =	sadd.s32 $0x8F2B, s0  }
0xc0: {  	[sflag:s0] =	ssyncadd.remote.s32 $0x1  }
0xc1: {  	_ =	sfence.sel $0xFFFF  }
0xc2: {  	[dreg:$0x0] =	wrdreg $0xFFFFFFFF;
	(pc) =	sbr.abs _section_cstart, $3  }
0xc3: {  	[dreg:$0x1] =	wrdreg $0xFFFFFFFF  }
0xc4: {  	_ =	task.clear_ibuf [dreg:s9], $0x2FFFF;
	_ =	strace $0x9FFFFFFF  }
0xc5: {  	(tm) =	ssettm $0x7FFFFFFF  }
tec
execute0_lowered:
.L_overlay_start_1:
0x0: {  	(tag) =	ssettag $0x1  }
0x1: {  	s3 =	rddreg [dreg:$0x0]  }
0x2: {  	s4 =	rddreg [dreg:$0x1]  }
0x3: {  	s5 =	rddreg [dreg:$0x2]  }
0x4: {  	s0 =	rddreg [dreg:$0x3];
	s6 =	srdreg.scid;
	s2 =	simm.s32 $0x0  }
0x5: {  	s1 =	stileid.u32;
	s20 =	simm.s32 $0x5;
	s6 =	sand.u32 $0x1, s6  }
0x6: {  	s10 =	simm.s32 $0x80;
	s7 =	sshll.u32 s1, $0x8;
	s8 =	sshll.u32 s6, $0x7  }
0x7: {  	s13 =	simm.s32 $0xA0;
	s6 =	ssub.s32 $0x2, s6;
	s7 =	sor.u32 s8, s7  }
0x8: {  	[smem:$0x7FF] =	sst s2;
	s30 =	sshrl.u32 s6, $0x1;
	s9 =	sshrl.u32 s7, $0x3  }
0x9: {  	_ =	strace $0x80000047;
	v0 =	vmov s7;
	s31 =	ssub.s32 s6, s30;
	s19 =	sadd.s32 s4, s9  }
0xa: {  	v1 =	vlaneseq.u32;
	v0 =	vmul.u32 $0xC8, v0;
	[tilespmem:s2], [sflag:$0x5] =	stream.linear.gather [hbm4b:s19+s2], $0x80, $0x38;
	[tilespmem:$0x4100] =	vst v63  }
0xb: {  	s14 =	simm.s32 $0x40;
	v5 =	vmul.u32 $0xC8, v1;
	s21 =	smax.u32 s31, $0x1;
	_ =	swait.ge [sflag:s20], $0x80  }
0xc: {  	s15 =	simm.s32 $0xC0;
	p0 =	sne.s32 s21, $0x1;
	v7 =	vbroadcast v0, $0x0;
	[sflag:s20] =	ssyncset.done $0x0  }
.Ltmp0:
0xd: {  	s11 =	simm.s32 $0x2100;
	v1 =	vadd.s32 $0xC80, v5;
	v3 =	vadd.s32 $0x2580, v5;
	v6 =	vadd.s32 $0x3200, v5;
	[sflag:s20] =	ssyncadd.s32 $0xFFFFFF80;
	(pc) =	sbr.rel @!p0 .LBB2_2-.Ltmp0, $4  }
0xe: {  	s18 =	simm.s32 $0x1;
	s16 =	simm.s32 $0x2;
	s17 =	simm.s32 $0x3;
	v8 =	vadd.s32 $0x4B00, v5;
	v2 =	vadd.s32 v1, v7;
	v1 =	vadd.s32 $0x1900, v5;
	v10 =	vld [tilespmem:$0x70]  }
0xf: {  	s12 =	simm.s32 $0x4;
	s8 =	simm.s32 $0x20;
	v12 =	vadd.s32 $0x5780, v5;
	s7 =	sshll.u32 s7, $0x4;
	v0 =	vadd.s32 v5, v7;
	v4 =	vadd.s32 v1, v7;
	v11 =	vld [tilespmem:$0x50]  }
0x10: {  	s4 =	sadd.s32 s5, s7;
	s9 =	simm.s32 $0x100;
	s7 =	simm.s32 $0x1100;
	v1 =	vadd.s32 v3, v7;
	v3 =	vadd.s32 v6, v7;
	v6 =	vadd.s32 $0x3E80, v5;
	v9 =	vld [tilespmem:$0x10]  }
0x11: {  	s6 =	sadd.s32 $0x200, s4;
	s5 =	sadd.s32 $0x400, s4;
	s21 =	sadd.s32 $0xFFFFFFFF, s21;
	v5 =	vadd.s32 v8, v7;
	v8 =	vld [tilespmem:$0x20];
	v6 =	vadd.s32 v6, v7;
	v7 =	vadd.s32 v12, v7  }
.LBB2_1:
0x12: {  	p0 =	sne.s32 s21, $0x1;
	s21 =	sadd.s32 $0xFFFFFFFF, s21;
	v12 =	vld [tilespmem:$0x60]  }
0x13: {  	v13 =	vld [tilespmem:$0x40];
	vm0 =	veq.s32 v10, $0x0;
	v10 =	vadd.s32 $0xFFFFFFFF, v10  }
0x14: {  	v14 =	vld [tilespmem:$0x30];
	vm1 =	veq.s32 v11, $0x0;
	v11 =	vadd.s32 $0xFFFFFFFF, v11;
	v10 =	vsel vm0, $0xC7, v10  }
0x15: {  	v15 =	vld [tilespmem:$0x0];
	v16 =	vadd.s32 $0xFFFFFFFF, v9;
	v11 =	vsel vm1, $0xC7, v11;
	v10 =	vadd.s32 v7, v10  }
0x16: {  	vm0 =	veq.s32 v9, $0x0;
	vm1 =	veq.s32 v8, $0x0;
	v9 =	vadd.s32 v6, v11;
	[tilespmem:$0xF0] =	vst v10  }
0x17: {  	v10 =	vsel vm0, $0xC7, v16;
	v8 =	vadd.s32 $0xFFFFFFFF, v8;
	[tilespmem:$0xD0] =	vst v9;
	v9 =	vadd.s32 $0xFFFFFFFF, v12  }
0x18: {  	v10 =	vadd.s32 v2, v10;
	v8 =	vsel vm1, $0xC7, v8;
	v11 =	vadd.s32 $0xFFFFFFFF, v13  }
0x19: {  	vm1 =	veq.s32 v12, $0x0;
	v8 =	vadd.s32 v4, v8;
	vm0 =	veq.s32 v13, $0x0;
	[tilespmem:$0x90] =	vst v10  }
0x1a: {  	v9 =	vsel vm1, $0xC7, v9;
	v10 =	vsel vm0, $0xC7, v11;
	[tilespmem:$0xA0] =	vst v8;
	v8 =	vadd.s32 $0xFFFFFFFF, v14  }
0x1b: {  	vm0 =	veq.s32 v14, $0x0;
	v9 =	vadd.s32 v5, v9;
	v10 =	vadd.s32 v3, v10  }
0x1c: {  	vm1 =	veq.s32 v15, $0x0;
	v11 =	vadd.s32 $0xFFFFFFFF, v15;
	v8 =	vsel vm0, $0xC7, v8;
	[tilespmem:$0xE0] =	vst v9  }
0x1d: {  	v9 =	vsel vm1, $0xC7, v11;
	v8 =	vadd.s32 v1, v8;
	[tilespmem:$0xC0] =	vst v10  }
0x1e: {  	v9 =	vadd.s32 v0, v9;
	[tilespmem:$0xB0] =	vst v8  }
0x1f: {  	[tilespmem:$0x80] =	vst v9  }
0x20: {  	[tilespmem:s9], [sflag:$0x1] =	stream.indirect.gather [hbm4b:s3+s8], $0x80, s10, s8, $0xb8;
	[tilespmem:$0x4100] =	vst v63  }
0x21: {  	_ = 	snop  }
0x22: {  	[tilespmem:s7], [sflag:$0x2] =	stream.indirect.gather [hbm4b:s3+s8], $0x80, s13, s8, $0xb8;
	[tilespmem:$0x4100] =	vst v63  }
0x23: {  	_ = 	snop  }
0x24: {  	[tilespmem:s11], [sflag:$0x3] =	stream.indirect.gather [hbm4b:s3+s14], $0x80, s15, s14, $0xb8;
	[tilespmem:$0x4100] =	vst v63  }
0x25: {  	_ =	swait.ge [sflag:s18], $0x1000  }
0x26: {  	[sflag:s18] =	ssyncset.done $0x0  }
0x27: {  	[sflag:s18] =	ssyncadd.s32 $0xFFFFF000  }
0x28: {  	[hbm4b:s4+s2] =	stream.linear.scatter [tilespmem:s9], [sflag:$0x4], $0x1000, $0x38;
	[tilespmem:$0x4100] =	vst v63  }
0x29: {  	_ =	swait.ge [sflag:s16], $0x1000  }
0x2a: {  	[sflag:s16] =	ssyncset.done $0x0  }
0x2b: {  	[sflag:s16] =	ssyncadd.s32 $0xFFFFF000  }
0x2c: {  	[hbm4b:s6+s2] =	stream.linear.scatter [tilespmem:s7], [sflag:$0x4], $0x1000, $0x38;
	[tilespmem:$0x4100] =	vst v63  }
0x2d: {  	_ =	swait.ge [sflag:s17], $0x2000  }
0x2e: {  	[sflag:s17] =	ssyncset.done $0x0  }
0x2f: {  	[sflag:s17] =	ssyncadd.s32 $0xFFFFE000  }
0x30: {  	[hbm4b:s5+s2] =	stream.linear.scatter [tilespmem:s11], [sflag:$0x4], $0x2000, $0x38;
	[tilespmem:$0x4100] =	vst v63  }
0x31: {  	_ =	swait.ge [sflag:s12], $0x1000  }
0x32: {  	[sflag:s12] =	ssyncset.done $0x0  }
0x33: {  	[sflag:s12] =	ssyncadd.s32 $0xFFFFF000  }
0x34: {  	_ =	swait.ge [sflag:s12], $0x1000  }
0x35: {  	[sflag:s12] =	ssyncset.done $0x0  }
0x36: {  	[sflag:s12] =	ssyncadd.s32 $0xFFFFF000  }
0x37: {  	_ =	swait.ge [sflag:s12], $0x2000  }
0x38: {  	[sflag:s12] =	ssyncset.done $0x0  }
0x39: {  	[sflag:s12] =	ssyncadd.s32 $0xFFFFE000  }
0x3a: {  	[tilespmem:s2], [sflag:$0x5] =	stream.linear.gather [hbm4b:s19+s2], $0x80, $0x38;
	[tilespmem:$0x4100] =	vst v63  }
0x3b: {  	_ =	swait.ge [sflag:s20], $0x80  }
0x3c: {  	[sflag:s20] =	ssyncset.done $0x0  }
.Ltmp1:
0x3d: {  	[sflag:s20] =	ssyncadd.s32 $0xFFFFFF80;
	(pc) =	sbr.rel @p0 .LBB2_1-.Ltmp1, $4  }
0x3e: {  	v10 =	vld [tilespmem:$0x70]  }
0x3f: {  	v11 =	vld [tilespmem:$0x50]  }
0x40: {  	v9 =	vld [tilespmem:$0x10]  }
0x41: {  	v8 =	vld [tilespmem:$0x20]  }
.LBB2_2:
0x42: {  	v12 =	vld [tilespmem:$0x60]  }
0x43: {  	v13 =	vld [tilespmem:$0x40];
	vm0 =	veq.s32 v10, $0x0;
	v50 =	vadd.s32 $0xFFFFFFFF, v10  }
0x44: {  	v14 =	vld [tilespmem:$0x30];
	vm1 =	veq.s32 v11, $0x0;
	v51 =	vadd.s32 $0xFFFFFFFF, v11;
	v10 =	vsel vm0, $0xC7, v50  }
0x45: {  	v15 =	vadd.s32 $0xFFFFFFFF, v9;
	v11 =	vsel vm1, $0xC7, v51;
	v7 =	vadd.s32 v7, v10  }
0x46: {  	v52 =	vld [tilespmem:$0x0];
	vm10 =	veq.s32 v9, $0x0;
	vm11 =	veq.s32 v8, $0x0;
	v6 =	vadd.s32 v6, v11  }
0x47: {  	v53 =	vsel vm10, $0xC7, v15;
	v54 =	vadd.s32 $0xFFFFFFFF, v8;
	v55 =	vadd.s32 $0xFFFFFFFF, v12  }
0x48: {  	[tilespmem:$0xF0] =	vst v7;
	v2 =	vadd.s32 v2, v53;
	v56 =	vsel vm11, $0xC7, v54;
	v57 =	vadd.s32 $0xFFFFFFFF, v13  }
0x49: {  	[tilespmem:$0xD0] =	vst v6;
	vm12 =	veq.s32 v13, $0x0;
	vm13 =	veq.s32 v12, $0x0;
	v58 =	vadd.s32 $0xFFFFFFFF, v14  }
0x4a: {  	vm14 =	veq.s32 v14, $0x0;
	v4 =	vadd.s32 v4, v56;
	[tilespmem:$0x90] =	vst v2;
	v60 =	vsel vm13, $0xC7, v55  }
0x4b: {  	vm15 =	veq.s32 v52, $0x0;
	v59 =	vsel vm12, $0xC7, v57;
	[tilespmem:$0xA0] =	vst v4;
	v61 =	vadd.s32 v5, v60  }
0x4c: {  	v62 =	vadd.s32 $0xFFFFFFFF, v52;
	v2 =	vsel vm14, $0xC7, v58;
	v3 =	vadd.s32 v3, v59;
	[tilespmem:$0xE0] =	vst v61  }
0x4d: {  	v63 =	vsel vm15, $0xC7, v62;
	v1 =	vadd.s32 v1, v2;
	[tilespmem:$0xC0] =	vst v3  }
0x4e: {  	v0 =	vadd.s32 v0, v63;
	[tilespmem:$0xB0] =	vst v1  }
0x4f: {  	[tilespmem:$0x80] =	vst v0  }
0x50: {  	[tilespmem:s9], [sflag:$0x1] =	stream.indirect.gather [hbm4b:s3+s8], $0x80, s10, s8, $0xb8;
	[tilespmem:$0x4100] =	vst v63  }
0x51: {  	_ = 	snop  }
0x52: {  	[tilespmem:s7], [sflag:$0x2] =	stream.indirect.gather [hbm4b:s3+s8], $0x80, s13, s8, $0xb8;
	[tilespmem:$0x4100] =	vst v63  }
0x53: {  	_ = 	snop  }
0x54: {  	[tilespmem:s11], [sflag:$0x3] =	stream.indirect.gather [hbm4b:s3+s14], $0x80, s15, s14, $0xb8;
	[tilespmem:$0x4100] =	vst v63  }
0x55: {  	_ =	swait.ge [sflag:s18], $0x1000  }
0x56: {  	[sflag:s18] =	ssyncset.done $0x0  }
0x57: {  	[sflag:s18] =	ssyncadd.s32 $0xFFFFF000  }
0x58: {  	[hbm4b:s4+s2] =	stream.linear.scatter [tilespmem:s9], [sflag:$0x4], $0x1000, $0x38;
	[tilespmem:$0x4100] =	vst v63  }
0x59: {  	_ =	swait.ge [sflag:s16], $0x1000  }
0x5a: {  	[sflag:s16] =	ssyncset.done $0x0  }
0x5b: {  	[sflag:s16] =	ssyncadd.s32 $0xFFFFF000  }
0x5c: {  	[hbm4b:s6+s2] =	stream.linear.scatter [tilespmem:s7], [sflag:$0x4], $0x1000, $0x38;
	[tilespmem:$0x4100] =	vst v63  }
0x5d: {  	_ =	swait.ge [sflag:s17], $0x2000  }
0x5e: {  	[sflag:s17] =	ssyncset.done $0x0  }
0x5f: {  	[sflag:s17] =	ssyncadd.s32 $0xFFFFE000  }
0x60: {  	[hbm4b:s5+s2] =	stream.linear.scatter [tilespmem:s11], [sflag:$0x4], $0x2000, $0x38;
	[tilespmem:$0x4100] =	vst v63  }
0x61: {  	_ =	swait.ge [sflag:s12], $0x1000  }
0x62: {  	[sflag:s12] =	ssyncset.done $0x0  }
0x63: {  	[sflag:s12] =	ssyncadd.s32 $0xFFFFF000  }
0x64: {  	_ =	swait.ge [sflag:s12], $0x1000  }
0x65: {  	[sflag:s12] =	ssyncset.done $0x0  }
0x66: {  	[sflag:s12] =	ssyncadd.s32 $0xFFFFF000  }
0x67: {  	_ =	swait.ge [sflag:s12], $0x2000  }
0x68: {  	[sflag:s12] =	ssyncset.done $0x0  }
0x69: {  	[sflag:s12] =	ssyncadd.s32 $0xFFFFE000  }
0x6a: {  	_ =	sfence.sel $0x180000  }
0x6b: {  	[bflag:$0x0] =	sbarrier.arrive $0xFFFF  }
0x6c: {  	p0 =	sne.s32 s1, $0x0;
	_ =	strace $0x90000047  }
0x6d: {  	s0 =	sadd.s32 @!p0 $0x100000, s0;
	[bflag:$0x2] =	sbarrier.arrive $0xFFFF  }
0x6e: {  	[sflag:s0] =	ssyncadd.tile.s32 @!p0 $0x1;
	_ =	shalt  }
.Lfunc_end2:
_tile_overlayer_lowered:
.L_overlay_start_2:
0x6f: {  	(tag) =	ssettag $0x2  }
0x70: {  	s0 =	rddreg [dreg:$0x0];
	s2 =	stileid.u32  }
0x71: {  	s1 =	rddreg [dreg:$0x1];
	p0 =	sne.s32 s2, $0x0  }
0x72: {  	s3 =	rddreg [dreg:$0x2];
	[bflag:$0x3] =	sbarrier.arrive $0xFFFF;
	s2 =	simm.s32 @!p0 $0x1C05  }
0x73: {  	[timem:s3], [sflag:s2] =	dma.local @!p0 [hbm:s0], s1  }
0x74: {  	s0 =	simm.s32 @!p0 $0x5  }
0x75: {  	_ =	swait.ge @!p0 [sflag:s0], s1  }
0x76: {  	s1 =	ssub.s32 @!p0 $0x0, s1;
	[sflag:s0] =	ssyncset.done @!p0 $0x0  }
0x77: {  	[sflag:s0] =	ssyncadd.s32 @!p0 s1  }
0x78: {  	[bflag:$0x3] =	sbarrier.arrive $0xFFFF  }
0x79: {  	_ =	shalt  }

</sc_bundles>
